<compile_context>
chip_gen: v7x
topology: tpu7x:2x2x1
jax: 0.10.2.dev20260603
libtpu: 0.0.44.dev20260713+nightly
codegen_flags: <defaults>
</compile_context>

<pallas_src>
import functools

import jax
import jax.numpy as jnp
from jax import lax
from jax.experimental import pallas as pl
from jax.experimental.pallas import tpu as pltpu
from jax.experimental.pallas import tpu_sc as plsc

D = 768
E = 8
T = 2048
NA = 2 * T
TR = 128
NT = 40
P = NT * TR
NW = 32
TW = T // NW
NQ = NA // TR



def _route_body(x_ref, wr_ref, br_ref, pos_ref, te_ref):
    x = x_ref[...]
    logits = lax.dot_general(
        x, wr_ref[...], (((1,), (1,)), ((), ())),
        preferred_element_type=jnp.float32,
    ) + br_ref[...]
    eids = lax.broadcasted_iota(jnp.int32, (T, E), 1)
    i1 = jnp.argmax(logits, axis=1)
    m1 = eids == i1[:, None]
    l2 = jnp.where(m1, -jnp.inf, logits)
    i2 = jnp.argmax(l2, axis=1)

    r0 = lax.broadcasted_iota(jnp.int32, (TR, TR), 0)
    r1 = lax.broadcasted_iota(jnp.int32, (TR, TR), 1)
    ident = (r0 == r1).astype(jnp.float32)
    lstrict = (r1 < r0).astype(jnp.float32)
    i1f = i1.astype(jnp.float32).reshape(16, TR)
    i2f = i2.astype(jnp.float32).reshape(16, TR)
    tca = lax.dot_general(ident, i1f, (((1,), (1,)), ((), ())),
                          preferred_element_type=jnp.float32)
    tcb = lax.dot_general(ident, i2f, (((1,), (1,)), ((), ())),
                          preferred_element_type=jnp.float32)
    i2d = jnp.concatenate([tca, tcb], axis=1)

    q0 = lax.broadcasted_iota(jnp.int32, (NQ, NQ), 0)
    q1 = lax.broadcasted_iota(jnp.int32, (NQ, NQ), 1)
    ustrict = (q0 < q1).astype(jnp.float32)

    lane = lax.broadcasted_iota(jnp.int32, (1, 64), 1).astype(jnp.float32) * float(TR)
    pos = jnp.zeros((TR, NQ), jnp.float32)
    te_acc = jnp.zeros((1, 64), jnp.float32)
    base = jnp.int32(0)
    for e in range(E):
        oe = (i2d == float(e)).astype(jnp.float32)
        rank = jnp.dot(lstrict, oe, preferred_element_type=jnp.float32)
        colsum = jnp.sum(oe, axis=0, keepdims=True)
        coloff = jnp.dot(colsum, ustrict, preferred_element_type=jnp.float32)
        basef = base.astype(jnp.float32)
        pos = pos + oe * (rank + coloff + basef)
        te_acc = te_acc + (lane >= basef).astype(jnp.float32)
        tot = jnp.sum(oe).astype(jnp.int32)
        base = base + ((tot + TR - 1) // TR) * TR
    pos_ref[...] = pos.astype(jnp.int32)
    te_ref[...] = (te_acc - 1.0).astype(jnp.int32)


def _route(xf, Wr, br2, interpret=False):
    return pl.pallas_call(
        _route_body,
        grid=(1,),
        in_specs=[
            pl.BlockSpec((T, D), lambda i: (0, 0)),
            pl.BlockSpec((E, D), lambda i: (0, 0)),
            pl.BlockSpec((1, E), lambda i: (0, 0)),
        ],
        out_specs=[
            pl.BlockSpec((TR, NQ), lambda i: (0, 0)),
            pl.BlockSpec((1, 64), lambda i: (0, 0)),
        ],
        out_shape=[
            jax.ShapeDtypeStruct((TR, NQ), jnp.int32),
            jax.ShapeDtypeStruct((1, 64), jnp.int32),
        ],
        interpret=interpret,
    )(xf, Wr, br2)




def _gmm_body(te_ref, xs_ref, we_ref, be_ref, out_ref):
    e = te_ref[pl.program_id(0)]
    w = we_ref[e]
    out_ref[...] = lax.dot_general(
        xs_ref[...], w, (((1,), (1,)), ((), ())),
        preferred_element_type=jnp.float32,
    ) + be_ref[e]


def _gmm(te, xs, We, be3, interpret=False):
    grid_spec = pltpu.PrefetchScalarGridSpec(
        num_scalar_prefetch=1,
        grid=(NT,),
        in_specs=[
            pl.BlockSpec((TR, D), lambda i, te: (i, 0)),
            pl.BlockSpec((E, D, D), lambda i, te: (0, 0, 0)),
            pl.BlockSpec((E, 1, D), lambda i, te: (0, 0, 0)),
        ],
        out_specs=pl.BlockSpec((TR, D), lambda i, te: (i, 0)),
    )
    return pl.pallas_call(
        _gmm_body,
        grid_spec=grid_spec,
        out_shape=jax.ShapeDtypeStruct((P, D), jnp.float32),
        interpret=interpret,
    )(te, xs, We, be3)



def _slot_indices(posm_v, t0, slot):
    rbase = lax.rem(t0, TR)
    qcol = slot * 16 + t0 // TR
    out = []
    for k in range(TW // 16):
        r = rbase + k * 16 + lax.broadcasted_iota(jnp.int32, (16,), 0)
        pv = plsc.load_gather(posm_v, [r * NQ + qcol])
        out.append(jnp.clip(pv, 0, P - 1))
    return out


def _dispatch_body(x_hbm, posm_hbm, xs_hbm, posm_v, xbuf, idx0, idx1, sem0, sem1):
    wid = lax.axis_index("s") * 2 + lax.axis_index("c")
    t0 = wid * TW
    pltpu.sync_copy(x_hbm.at[pl.ds(t0, TW)], xbuf)
    pltpu.sync_copy(xbuf, xs_hbm.at[pl.ds(t0, TW)])


def _combine_body(out_hbm, posm_hbm, y_hbm, posm_v, bufa, bufb, idx0, idx1, sema, semb):
    wid = lax.axis_index("s") * 2 + lax.axis_index("c")
    t0 = wid * TW
    pltpu.sync_copy(posm_hbm, posm_v)
    for k, pv in enumerate(_slot_indices(posm_v, t0, 0)):
        idx0[pl.ds(k * 16, 16)] = pv
    for k, pv in enumerate(_slot_indices(posm_v, t0, 1)):
        idx1[pl.ds(k * 16, 16)] = pv
    cpa = pltpu.make_async_copy(out_hbm.at[idx0], bufa, sema)
    cpb = pltpu.make_async_copy(out_hbm.at[idx1], bufb, semb)
    cpa.start()
    cpb.start()
    cpa.wait()
    cpb.wait()

    def _add_row(j, carry):
        for c in range(D // 16):
            sl = pl.ds(c * 16, 16)
            bufa[j, sl] = bufa[j, sl] + bufb[j, sl]
        return carry

    lax.fori_loop(0, TW, _add_row, 0)
    pltpu.sync_copy(bufa, y_hbm.at[pl.ds(t0, TW)])


@functools.cache
def _sc_kernels():
    mesh = plsc.VectorSubcoreMesh(core_axis_name="c", subcore_axis_name="s")
    params = pltpu.CompilerParams(needs_layout_passes=False)
    dispatch = pl.kernel(
        _dispatch_body,
        out_type=jax.ShapeDtypeStruct((P, D), jnp.float32),
        mesh=mesh,
        compiler_params=params,
        scratch_types=[
            pltpu.VMEM((NA,), jnp.int32),
            pltpu.VMEM((TW, D), jnp.float32),
            pltpu.VMEM((TW,), jnp.int32),
            pltpu.VMEM((TW,), jnp.int32),
            pltpu.SemaphoreType.DMA,
            pltpu.SemaphoreType.DMA,
        ],
    )
    combine = pl.kernel(
        _combine_body,
        out_type=jax.ShapeDtypeStruct((T, D), jnp.float32),
        mesh=mesh,
        compiler_params=params,
        scratch_types=[
            pltpu.VMEM((NA,), jnp.int32),
            pltpu.VMEM((TW, D), jnp.float32),
            pltpu.VMEM((TW, D), jnp.float32),
            pltpu.VMEM((TW,), jnp.int32),
            pltpu.VMEM((TW,), jnp.int32),
            pltpu.SemaphoreType.DMA,
            pltpu.SemaphoreType.DMA,
        ],
    )
    return dispatch, combine




def kernel(x, Wr, br, We, be, interpret=False):
    xf = x.reshape(T, D)
    posm2, te64 = _route(xf, Wr, br.reshape(1, E), interpret=interpret)
    posm = posm2.reshape(NA)
    te = te64.reshape(64)[:NT]
    dispatch, combine = _sc_kernels()
    xs = dispatch(xf, posm)
    y = xs[:T]
    return y.reshape(x.shape[0], T, D)

# --- scband reference (transcript-rebuilt; emitter-appended) ---
"""Pipeline reference for scband-mo-e-40501541601518 (READ-ONLY COPY).

The authoritative reference and input builder live on the scoring server;
editing this copy changes nothing except your own understanding.
"""

import jax, jax.numpy as jnp
import numpy as np

D_IN = 768
D_OUT = 768
N_EXPERTS = 8
N_ACTIVE = 2
B = 1
T = 2048


def setup_inputs(seed: int = 0) -> dict:
    key = jax.random.key(seed)
    ks = jax.random.split(key, 5)
    x = jax.random.normal(ks[0], (B, T, D_IN), dtype=jnp.float32)
    # Router: torch.nn.Linear(d_in, n_experts) -> weight [E, d_in], bias [E]
    Wr = jax.random.normal(ks[1], (N_EXPERTS, D_IN), dtype=jnp.float32) * (1.0 / np.sqrt(D_IN))
    br = jax.random.normal(ks[2], (N_EXPERTS,), dtype=jnp.float32) * 0.01
    # Experts: n_experts x torch.nn.Linear(d_in, d_out) -> weight [E, d_out, d_in], bias [E, d_out]
    We = jax.random.normal(ks[3], (N_EXPERTS, D_OUT, D_IN), dtype=jnp.float32) * (1.0 / np.sqrt(D_IN))
    be = jax.random.normal(ks[4], (N_EXPERTS, D_OUT), dtype=jnp.float32) * 0.01
    return {"x": x, "Wr": Wr, "br": br, "We": We, "be": be}


def reference(x, Wr, br, We, be):
    # gamma = softmax(router(x))
    logits = jnp.einsum('btd,ed->bte', x, Wr) + br
    gamma = jax.nn.softmax(logits, axis=-1)
    # top-k routing (note: original torch code computes expert_weights but never
    # multiplies them into the output -- we reproduce that faithfully)
    expert_weights, expert_ids = jax.lax.top_k(gamma, N_ACTIVE)
    y = jnp.zeros((x.shape[0], x.shape[1], D_OUT), dtype=jnp.float32)
    for eid in range(N_EXPERTS):
        # expert_mask = (expert_ids == eid).any(dim=-1)
        mask = (expert_ids == eid).any(axis=-1)  # [B, T] bool
        # y[expert_mask] += expert(x[expert_mask])  (dense-equivalent masked form)
        ye = jnp.einsum('btd,od->bto', x, We[eid]) + be[eid]
        y = y + jnp.where(mask[..., None], ye, jnp.zeros_like(ye))
    return y

if __name__ == "__main__":
    import jax
    _d = setup_inputs()
    print(jax.jit(kernel)(*tuple(_d.values())))

</pallas_src>

<mosaic_0001>
#map = affine_map<(d0, d1) -> (0, 0)>
#map1 = affine_map<(d0, d1) -> (0)>
module attributes {stable_mosaic.version = 14 : i64} {
  func.func @_dispatch_body(%arg0: i32, %arg1: i32, %arg2: memref<2048x768xf32, #tpu.memory_space<hbm>>, %arg3: memref<4096xi32, #tpu.memory_space<hbm>>, %arg4: memref<5120x768xf32, #tpu.memory_space<hbm>>, %arg5: memref<4096xi32, #tpu.memory_space<vmem>>, %arg6: memref<64x768xf32, #tpu.memory_space<vmem>>, %arg7: memref<64xi32, #tpu.memory_space<vmem>>, %arg8: memref<64xi32, #tpu.memory_space<vmem>>, %arg9: memref<!tpu.dma_semaphore, #tpu.memory_space<semaphore_mem>>, %arg10: memref<!tpu.dma_semaphore, #tpu.memory_space<semaphore_mem>>) attributes {dimension_semantics = [#tpu.dimension_semantics<core_parallel>, #tpu.dimension_semantics<subcore_parallel>], iteration_bounds = array<i64: 2, 16>, scalar_prefetch = 0 : i64, scratch_operands = 6 : i64, tpu.core_type = #tpu.core_type<sc_vector_subcore>, window_params = [{transform_indices = #map}, {transform_indices = #map1}, {transform_indices = #map}]} {
    %mul3A = arith.constant 2 : i32
    %mul3A_0 = arith.muli %arg1, %mul3A : i32
    %add3A = arith.addi %mul3A_0, %arg0 : i32
    %mul3A_1 = arith.constant 64 : i32
    %mul3A_2 = arith.muli %add3A, %mul3A_1 : i32
    "tpu.region"() ({
      %run_scoped3A = tpu.sem_alloc : memref<!tpu.dma_semaphore, #tpu.memory_space<semaphore_mem>>
      %dma_start3A = arith.constant 0 : i32
      %dma_start3A_3 = tpu.memref_slice %arg2[%mul3A_2, %dma_start3A] : memref<2048x768xf32, #tpu.memory_space<hbm>> -> memref<64x768xf32, #tpu.memory_space<hbm>>
      %dma_start3A_4 = arith.constant 0 : i32
      %dma_start3A_5 = tpu.memref_slice %arg2[%mul3A_2, %dma_start3A_4] : memref<2048x768xf32, #tpu.memory_space<hbm>> -> memref<64x768xf32, #tpu.memory_space<hbm>>
      tpu.enqueue_dma source(%dma_start3A_5 : memref<64x768xf32, #tpu.memory_space<hbm>>) target(%arg6 : memref<64x768xf32, #tpu.memory_space<vmem>>) target_semaphore(%run_scoped3A : memref<!tpu.dma_semaphore, #tpu.memory_space<semaphore_mem>>)
      %dma_wait3A = arith.constant 0 : i32
      %dma_wait3A_6 = tpu.memref_slice %arg2[%mul3A_2, %dma_wait3A] : memref<2048x768xf32, #tpu.memory_space<hbm>> -> memref<64x768xf32, #tpu.memory_space<hbm>>
      %dma_wait3A_7 = arith.constant 0 : i32
      %dma_wait3A_8 = tpu.memref_slice %arg2[%mul3A_2, %dma_wait3A_7] : memref<2048x768xf32, #tpu.memory_space<hbm>> -> memref<64x768xf32, #tpu.memory_space<hbm>>
      tpu.wait_dma2 semaphore(%run_scoped3A : memref<!tpu.dma_semaphore, #tpu.memory_space<semaphore_mem>>) src(%dma_wait3A_8 : memref<64x768xf32, #tpu.memory_space<hbm>>) dst(%arg6 : memref<64x768xf32, #tpu.memory_space<vmem>>)
      tpu.yield
    }) : () -> ()
    "tpu.region"() ({
      %run_scoped3A = tpu.sem_alloc : memref<!tpu.dma_semaphore, #tpu.memory_space<semaphore_mem>>
      %dma_start3A = arith.constant 0 : i32
      %dma_start3A_3 = tpu.memref_slice %arg4[%mul3A_2, %dma_start3A] : memref<5120x768xf32, #tpu.memory_space<hbm>> -> memref<64x768xf32, #tpu.memory_space<hbm>>
      %dma_start3A_4 = arith.constant 0 : i32
      %dma_start3A_5 = tpu.memref_slice %arg4[%mul3A_2, %dma_start3A_4] : memref<5120x768xf32, #tpu.memory_space<hbm>> -> memref<64x768xf32, #tpu.memory_space<hbm>>
      tpu.enqueue_dma source(%arg6 : memref<64x768xf32, #tpu.memory_space<vmem>>) target(%dma_start3A_5 : memref<64x768xf32, #tpu.memory_space<hbm>>) target_semaphore(%run_scoped3A : memref<!tpu.dma_semaphore, #tpu.memory_space<semaphore_mem>>)
      %dma_wait3A = arith.constant 0 : i32
      %dma_wait3A_6 = tpu.memref_slice %arg4[%mul3A_2, %dma_wait3A] : memref<5120x768xf32, #tpu.memory_space<hbm>> -> memref<64x768xf32, #tpu.memory_space<hbm>>
      %dma_wait3A_7 = arith.constant 0 : i32
      %dma_wait3A_8 = tpu.memref_slice %arg4[%mul3A_2, %dma_wait3A_7] : memref<5120x768xf32, #tpu.memory_space<hbm>> -> memref<64x768xf32, #tpu.memory_space<hbm>>
      tpu.wait_dma2 semaphore(%run_scoped3A : memref<!tpu.dma_semaphore, #tpu.memory_space<semaphore_mem>>) src(%arg6 : memref<64x768xf32, #tpu.memory_space<vmem>>) dst(%dma_wait3A_8 : memref<64x768xf32, #tpu.memory_space<hbm>>)
      tpu.yield
    }) : () -> ()
    return
  }
}

module attributes {stable_mosaic.version = 14 : i64} {
  func.func @_route_body(%arg0: i32, %arg1: memref<2048x768xf32, #tpu.memory_space<vmem>>, %arg2: memref<8x768xf32, #tpu.memory_space<vmem>>, %arg3: memref<1x8xf32, #tpu.memory_space<vmem>>, %arg4: memref<128x32xi32, #tpu.memory_space<vmem>>, %arg5: memref<1x64xi32, #tpu.memory_space<vmem>>) attributes {dimension_semantics = [#tpu.dimension_semantics<arbitrary>], iteration_bounds = array<i64: 1>, scalar_prefetch = 0 : i64, scratch_operands = 0 : i64, tpu.core_type = #tpu.core_type<tc>, window_params = [{pipeline_mode = #tpu.pipeline_mode<synchronous>, transform_indices = @transform_0, window_bounds = array<i64: 2048, 768>}, {pipeline_mode = #tpu.pipeline_mode<synchronous>, transform_indices = @transform_1, window_bounds = array<i64: 8, 768>}, {pipeline_mode = #tpu.pipeline_mode<synchronous>, transform_indices = @transform_2, window_bounds = array<i64: 1, 8>}, {pipeline_mode = #tpu.pipeline_mode<synchronous>, transform_indices = @transform_3, window_bounds = array<i64: 128, 32>}, {pipeline_mode = #tpu.pipeline_mode<synchronous>, transform_indices = @transform_4, window_bounds = array<i64: 1, 64>}]} {
    %get3A = arith.constant 0 : index
    %get3A_0 = arith.constant 0 : index
    %get3A_1 = vector.load %arg1[%get3A, %get3A_0] : memref<2048x768xf32, #tpu.memory_space<vmem>>, vector<2048x768xf32>
    %get3A_2 = arith.constant 0 : index
    %get3A_3 = arith.constant 0 : index
    %get3A_4 = vector.load %arg2[%get3A_2, %get3A_3] : memref<8x768xf32, #tpu.memory_space<vmem>>, vector<8x768xf32>
    %dot_general3A = arith.constant dense<0.000000e+00> : vector<2048x8xf32>
    %dot_general3A_5 = tpu.matmul %get3A_1, %get3A_4, %dot_general3A {dimension_numbers = #tpu.dot_dimension_numbers<[1], [1], [0], [0], [0, 0, 1, 0], [], []>, transpose_lhs_hint = false} : vector<2048x768xf32>, vector<8x768xf32>, vector<2048x8xf32> -> vector<2048x8xf32>
    %get3A_6 = arith.constant 0 : index
    %get3A_7 = arith.constant 0 : index
    %get3A_8 = vector.load %arg3[%get3A_6, %get3A_7] : memref<1x8xf32, #tpu.memory_space<vmem>>, vector<1x8xf32>
    %add3A = vector.broadcast %get3A_8 : vector<1x8xf32> to vector<2048x8xf32>
    %add3A_9 = arith.addf %dot_general3A_5, %add3A : vector<2048x8xf32>
    %iota3A = tpu.iota {dimensions = array<i32: 1>} : vector<2048x8xi32>
    %argmax3A = tpu.reduce_index %add3A_9 {axis = 1 : i32, kind = #tpu.reduction_kind<arg_max>} : vector<2048x8xf32> -> vector<2048xi32>
    %broadcast_in_dim3A = vector.shape_cast %argmax3A : vector<2048xi32> to vector<2048x1xi32>
    %eq3A = vector.broadcast %broadcast_in_dim3A : vector<2048x1xi32> to vector<2048x8xi32>
    %eq3A_10 = arith.cmpi eq, %iota3A, %eq3A : vector<2048x8xi32>
    %jit3A = arith.constant 0xFF800000 : f32
    %broadcast_in_dim3A_11 = vector.broadcast %jit3A : f32 to vector<2048x8xf32>
    %select_n3A = arith.select %eq3A_10, %broadcast_in_dim3A_11, %add3A_9 : vector<2048x8xi1>, vector<2048x8xf32>
    %argmax3A_12 = tpu.reduce_index %select_n3A {axis = 1 : i32, kind = #tpu.reduction_kind<arg_max>} : vector<2048x8xf32> -> vector<2048xi32>
    %iota3A_13 = tpu.iota {dimensions = array<i32: 0>} : vector<128x128xi32>
    %iota3A_14 = tpu.iota {dimensions = array<i32: 1>} : vector<128x128xi32>
    %eq3A_15 = arith.cmpi eq, %iota3A_13, %iota3A_14 : vector<128x128xi32>
    %convert_element_type3A = arith.extui %eq3A_15 : vector<128x128xi1> to vector<128x128xi32>
    %convert_element_type3A_16 = arith.sitofp %convert_element_type3A : vector<128x128xi32> to vector<128x128xf32>
    %lt3A = arith.cmpi slt, %iota3A_14, %iota3A_13 : vector<128x128xi32>
    %convert_element_type3A_17 = arith.extui %lt3A : vector<128x128xi1> to vector<128x128xi32>
    %convert_element_type3A_18 = arith.sitofp %convert_element_type3A_17 : vector<128x128xi32> to vector<128x128xf32>
    %convert_element_type3A_19 = arith.sitofp %argmax3A : vector<2048xi32> to vector<2048xf32>
    %reshape3A = vector.shape_cast %convert_element_type3A_19 : vector<2048xf32> to vector<16x128xf32>
    %convert_element_type3A_20 = arith.sitofp %argmax3A_12 : vector<2048xi32> to vector<2048xf32>
    %reshape3A_21 = vector.shape_cast %convert_element_type3A_20 : vector<2048xf32> to vector<16x128xf32>
    %dot_general3A_22 = arith.constant dense<0.000000e+00> : vector<128x16xf32>
    %dot_general3A_23 = tpu.matmul %convert_element_type3A_16, %reshape3A, %dot_general3A_22 {dimension_numbers = #tpu.dot_dimension_numbers<[1], [1], [0], [0], [0, 0, 1, 0], [], []>, transpose_lhs_hint = false} : vector<128x128xf32>, vector<16x128xf32>, vector<128x16xf32> -> vector<128x16xf32>
    %dot_general3A_24 = arith.constant dense<0.000000e+00> : vector<128x16xf32>
    %dot_general3A_25 = tpu.matmul %convert_element_type3A_16, %reshape3A_21, %dot_general3A_24 {dimension_numbers = #tpu.dot_dimension_numbers<[1], [1], [0], [0], [0, 0, 1, 0], [], []>, transpose_lhs_hint = false} : vector<128x128xf32>, vector<16x128xf32>, vector<128x16xf32> -> vector<128x16xf32>
    %concatenate3A = tpu.concatenate %dot_general3A_23, %dot_general3A_25 in 1 : vector<128x16xf32>, vector<128x16xf32> -> vector<128x32xf32>
    %iota3A_26 = tpu.iota {dimensions = array<i32: 0>} : vector<32x32xi32>
    %iota3A_27 = tpu.iota {dimensions = array<i32: 1>} : vector<32x32xi32>
    %lt3A_28 = arith.cmpi slt, %iota3A_26, %iota3A_27 : vector<32x32xi32>
    %convert_element_type3A_29 = arith.extui %lt3A_28 : vector<32x32xi1> to vector<32x32xi32>
    %convert_element_type3A_30 = arith.sitofp %convert_element_type3A_29 : vector<32x32xi32> to vector<32x32xf32>
    %iota3A_31 = tpu.iota {dimensions = array<i32: 1>} : vector<1x64xi32>
    %convert_element_type3A_32 = arith.sitofp %iota3A_31 : vector<1x64xi32> to vector<1x64xf32>
    %mul3A = arith.constant 1.280000e+02 : f32
    %mul3A_33 = vector.broadcast %mul3A : f32 to vector<1x64xf32>
    %mul3A_34 = arith.mulf %convert_element_type3A_32, %mul3A_33 : vector<1x64xf32>
    %broadcast_in_dim3A_35 = arith.constant 0.000000e+00 : f32
    %broadcast_in_dim3A_36 = vector.broadcast %broadcast_in_dim3A_35 : f32 to vector<128x32xf32>
    %broadcast_in_dim3A_37 = arith.constant 0.000000e+00 : f32
    %broadcast_in_dim3A_38 = vector.broadcast %broadcast_in_dim3A_37 : f32 to vector<1x64xf32>
    %eq3A_39 = arith.constant 0.000000e+00 : f32
    %eq3A_40 = vector.broadcast %eq3A_39 : f32 to vector<128x32xf32>
    %eq3A_41 = arith.cmpf oeq, %concatenate3A, %eq3A_40 : vector<128x32xf32>
    %convert_element_type3A_42 = arith.extui %eq3A_41 : vector<128x32xi1> to vector<128x32xi32>
    %convert_element_type3A_43 = arith.sitofp %convert_element_type3A_42 : vector<128x32xi32> to vector<128x32xf32>
    %dot_general3A_44 = arith.constant dense<0.000000e+00> : vector<128x32xf32>
    %dot_general3A_45 = tpu.matmul %convert_element_type3A_18, %convert_element_type3A_43, %dot_general3A_44 {dimension_numbers = #tpu.dot_dimension_numbers<[1], [0], [0], [1], [0, 0, 1, 1], [], []>, transpose_lhs_hint = false} : vector<128x128xf32>, vector<128x32xf32>, vector<128x32xf32> -> vector<128x32xf32>
    %reduce_sum3A = arith.constant dense<0.000000e+00> : vector<32xf32>
    %reduce_sum3A_46 = vector.multi_reduction <add>, %convert_element_type3A_43, %reduce_sum3A [0] : vector<128x32xf32> to vector<32xf32>
    %broadcast_in_dim3A_47 = vector.shape_cast %reduce_sum3A_46 : vector<32xf32> to vector<1x32xf32>
    %dot_general3A_48 = arith.constant dense<0.000000e+00> : vector<1x32xf32>
    %dot_general3A_49 = tpu.matmul %broadcast_in_dim3A_47, %convert_element_type3A_30, %dot_general3A_48 {dimension_numbers = #tpu.dot_dimension_numbers<[1], [0], [0], [1], [0, 0, 1, 1], [], []>, transpose_lhs_hint = false} : vector<1x32xf32>, vector<32x32xf32>, vector<1x32xf32> -> vector<1x32xf32>
    %add3A_50 = vector.broadcast %dot_general3A_49 : vector<1x32xf32> to vector<128x32xf32>
    %add3A_51 = arith.addf %dot_general3A_45, %add3A_50 : vector<128x32xf32>
    %add3A_52 = arith.constant 0.000000e+00 : f32
    %add3A_53 = vector.broadcast %add3A_52 : f32 to vector<128x32xf32>
    %add3A_54 = arith.addf %add3A_51, %add3A_53 : vector<128x32xf32>
    %mul3A_55 = arith.mulf %convert_element_type3A_43, %add3A_54 : vector<128x32xf32>
    %add3A_56 = arith.addf %broadcast_in_dim3A_36, %mul3A_55 : vector<128x32xf32>
    %ge3A = arith.constant 0.000000e+00 : f32
    %ge3A_57 = vector.broadcast %ge3A : f32 to vector<1x64xf32>
    %ge3A_58 = arith.cmpf oge, %mul3A_34, %ge3A_57 : vector<1x64xf32>
    %convert_element_type3A_59 = arith.extui %ge3A_58 : vector<1x64xi1> to vector<1x64xi32>
    %convert_element_type3A_60 = arith.sitofp %convert_element_type3A_59 : vector<1x64xi32> to vector<1x64xf32>
    %add3A_61 = arith.addf %broadcast_in_dim3A_38, %convert_element_type3A_60 : vector<1x64xf32>
    %reduce_sum3A_62 = vector.shape_cast %convert_element_type3A_43 : vector<128x32xf32> to vector<1x128x32xf32>
    %reduce_sum3A_63 = arith.constant dense<0.000000e+00> : vector<1xf32>
    %reduce_sum3A_64 = vector.multi_reduction <add>, %reduce_sum3A_62, %reduce_sum3A_63 [1, 2] : vector<1x128x32xf32> to vector<1xf32>
    %reduce_sum3A_65 = vector.shape_cast %reduce_sum3A_64 : vector<1xf32> to vector<1x1x1xf32>
    %reduce_sum3A_66 = vector.extract %reduce_sum3A_65[0, 0, 0] : f32 from vector<1x1x1xf32>
    %convert_element_type3A_67 = arith.fptosi %reduce_sum3A_66 : f32 to i32
    %add3A_68 = arith.constant 128 : i32
    %add3A_69 = arith.addi %convert_element_type3A_67, %add3A_68 : i32
    %sub3A = arith.constant 1 : i32
    %sub3A_70 = arith.subi %add3A_69, %sub3A : i32
    %jit3A_71 = arith.constant 128 : i32
    %div3A = arith.divsi %sub3A_70, %jit3A_71 : i32
    %sign3A = arith.constant 0 : i32
    %sign3A_72 = arith.cmpi sgt, %sub3A_70, %sign3A : i32
    %sign3A_73 = arith.extui %sign3A_72 : i1 to i32
    %sign3A_74 = arith.constant 0 : i32
    %sign3A_75 = arith.cmpi slt, %sub3A_70, %sign3A_74 : i32
    %sign3A_76 = arith.extui %sign3A_75 : i1 to i32
    %sign3A_77 = arith.subi %sign3A_73, %sign3A_76 : i32
    %sign3A_78 = arith.constant 0 : i32
    %sign3A_79 = arith.cmpi sgt, %jit3A_71, %sign3A_78 : i32
    %sign3A_80 = arith.extui %sign3A_79 : i1 to i32
    %sign3A_81 = arith.constant 0 : i32
    %sign3A_82 = arith.cmpi slt, %jit3A_71, %sign3A_81 : i32
    %sign3A_83 = arith.extui %sign3A_82 : i1 to i32
    %sign3A_84 = arith.subi %sign3A_80, %sign3A_83 : i32
    %ne3A = arith.cmpi ne, %sign3A_77, %sign3A_84 : i32
    %rem3A = arith.remsi %sub3A_70, %jit3A_71 : i32
    %ne3A_85 = arith.constant 0 : i32
    %ne3A_86 = arith.cmpi ne, %rem3A, %ne3A_85 : i32
    %and3A = arith.andi %ne3A, %ne3A_86 : i1
    %sub3A_87 = arith.constant 1 : i32
    %sub3A_88 = arith.subi %div3A, %sub3A_87 : i32
    %select_n3A_89 = arith.select %and3A, %sub3A_88, %div3A : i32
    %mul3A_90 = arith.constant 128 : i32
    %mul3A_91 = arith.muli %select_n3A_89, %mul3A_90 : i32
    %add3A_92 = arith.constant 0 : i32
    %add3A_93 = arith.addi %add3A_92, %mul3A_91 : i32
    %eq3A_94 = arith.constant 1.000000e+00 : f32
    %eq3A_95 = vector.broadcast %eq3A_94 : f32 to vector<128x32xf32>
    %eq3A_96 = arith.cmpf oeq, %concatenate3A, %eq3A_95 : vector<128x32xf32>
    %convert_element_type3A_97 = arith.extui %eq3A_96 : vector<128x32xi1> to vector<128x32xi32>
    %convert_element_type3A_98 = arith.sitofp %convert_element_type3A_97 : vector<128x32xi32> to vector<128x32xf32>
    %dot_general3A_99 = arith.constant dense<0.000000e+00> : vector<128x32xf32>
    %dot_general3A_100 = tpu.matmul %convert_element_type3A_18, %convert_element_type3A_98, %dot_general3A_99 {dimension_numbers = #tpu.dot_dimension_numbers<[1], [0], [0], [1], [0, 0, 1, 1], [], []>, transpose_lhs_hint = false} : vector<128x128xf32>, vector<128x32xf32>, vector<128x32xf32> -> vector<128x32xf32>
    %reduce_sum3A_101 = arith.constant dense<0.000000e+00> : vector<32xf32>
    %reduce_sum3A_102 = vector.multi_reduction <add>, %convert_element_type3A_98, %reduce_sum3A_101 [0] : vector<128x32xf32> to vector<32xf32>
    %broadcast_in_dim3A_103 = vector.shape_cast %reduce_sum3A_102 : vector<32xf32> to vector<1x32xf32>
    %dot_general3A_104 = arith.constant dense<0.000000e+00> : vector<1x32xf32>
    %dot_general3A_105 = tpu.matmul %broadcast_in_dim3A_103, %convert_element_type3A_30, %dot_general3A_104 {dimension_numbers = #tpu.dot_dimension_numbers<[1], [0], [0], [1], [0, 0, 1, 1], [], []>, transpose_lhs_hint = false} : vector<1x32xf32>, vector<32x32xf32>, vector<1x32xf32> -> vector<1x32xf32>
    %convert_element_type3A_106 = arith.sitofp %add3A_93 : i32 to f32
    %add3A_107 = vector.broadcast %dot_general3A_105 : vector<1x32xf32> to vector<128x32xf32>
    %add3A_108 = arith.addf %dot_general3A_100, %add3A_107 : vector<128x32xf32>
    %add3A_109 = vector.broadcast %convert_element_type3A_106 : f32 to vector<128x32xf32>
    %add3A_110 = arith.addf %add3A_108, %add3A_109 : vector<128x32xf32>
    %mul3A_111 = arith.mulf %convert_element_type3A_98, %add3A_110 : vector<128x32xf32>
    %add3A_112 = arith.addf %add3A_56, %mul3A_111 : vector<128x32xf32>
    %ge3A_113 = vector.broadcast %convert_element_type3A_106 : f32 to vector<1x64xf32>
    %ge3A_114 = arith.cmpf oge, %mul3A_34, %ge3A_113 : vector<1x64xf32>
    %convert_element_type3A_115 = arith.extui %ge3A_114 : vector<1x64xi1> to vector<1x64xi32>
    %convert_element_type3A_116 = arith.sitofp %convert_element_type3A_115 : vector<1x64xi32> to vector<1x64xf32>
    %add3A_117 = arith.addf %add3A_61, %convert_element_type3A_116 : vector<1x64xf32>
    %reduce_sum3A_118 = vector.shape_cast %convert_element_type3A_98 : vector<128x32xf32> to vector<1x128x32xf32>
    %reduce_sum3A_119 = arith.constant dense<0.000000e+00> : vector<1xf32>
    %reduce_sum3A_120 = vector.multi_reduction <add>, %reduce_sum3A_118, %reduce_sum3A_119 [1, 2] : vector<1x128x32xf32> to vector<1xf32>
    %reduce_sum3A_121 = vector.shape_cast %reduce_sum3A_120 : vector<1xf32> to vector<1x1x1xf32>
    %reduce_sum3A_122 = vector.extract %reduce_sum3A_121[0, 0, 0] : f32 from vector<1x1x1xf32>
    %convert_element_type3A_123 = arith.fptosi %reduce_sum3A_122 : f32 to i32
    %add3A_124 = arith.constant 128 : i32
    %add3A_125 = arith.addi %convert_element_type3A_123, %add3A_124 : i32
    %sub3A_126 = arith.constant 1 : i32
    %sub3A_127 = arith.subi %add3A_125, %sub3A_126 : i32
    %jit3A_128 = arith.constant 128 : i32
    %div3A_129 = arith.divsi %sub3A_127, %jit3A_128 : i32
    %sign3A_130 = arith.constant 0 : i32
    %sign3A_131 = arith.cmpi sgt, %sub3A_127, %sign3A_130 : i32
    %sign3A_132 = arith.extui %sign3A_131 : i1 to i32
    %sign3A_133 = arith.constant 0 : i32
    %sign3A_134 = arith.cmpi slt, %sub3A_127, %sign3A_133 : i32
    %sign3A_135 = arith.extui %sign3A_134 : i1 to i32
    %sign3A_136 = arith.subi %sign3A_132, %sign3A_135 : i32
    %sign3A_137 = arith.constant 0 : i32
    %sign3A_138 = arith.cmpi sgt, %jit3A_128, %sign3A_137 : i32
    %sign3A_139 = arith.extui %sign3A_138 : i1 to i32
    %sign3A_140 = arith.constant 0 : i32
    %sign3A_141 = arith.cmpi slt, %jit3A_128, %sign3A_140 : i32
    %sign3A_142 = arith.extui %sign3A_141 : i1 to i32
    %sign3A_143 = arith.subi %sign3A_139, %sign3A_142 : i32
    %ne3A_144 = arith.cmpi ne, %sign3A_136, %sign3A_143 : i32
    %rem3A_145 = arith.remsi %sub3A_127, %jit3A_128 : i32
    %ne3A_146 = arith.constant 0 : i32
    %ne3A_147 = arith.cmpi ne, %rem3A_145, %ne3A_146 : i32
    %and3A_148 = arith.andi %ne3A_144, %ne3A_147 : i1
    %sub3A_149 = arith.constant 1 : i32
    %sub3A_150 = arith.subi %div3A_129, %sub3A_149 : i32
    %select_n3A_151 = arith.select %and3A_148, %sub3A_150, %div3A_129 : i32
    %mul3A_152 = arith.constant 128 : i32
    %mul3A_153 = arith.muli %select_n3A_151, %mul3A_152 : i32
    %add3A_154 = arith.addi %add3A_93, %mul3A_153 : i32
    %eq3A_155 = arith.constant 2.000000e+00 : f32
    %eq3A_156 = vector.broadcast %eq3A_155 : f32 to vector<128x32xf32>
    %eq3A_157 = arith.cmpf oeq, %concatenate3A, %eq3A_156 : vector<128x32xf32>
    %convert_element_type3A_158 = arith.extui %eq3A_157 : vector<128x32xi1> to vector<128x32xi32>
    %convert_element_type3A_159 = arith.sitofp %convert_element_type3A_158 : vector<128x32xi32> to vector<128x32xf32>
    %dot_general3A_160 = arith.constant dense<0.000000e+00> : vector<128x32xf32>
    %dot_general3A_161 = tpu.matmul %convert_element_type3A_18, %convert_element_type3A_159, %dot_general3A_160 {dimension_numbers = #tpu.dot_dimension_numbers<[1], [0], [0], [1], [0, 0, 1, 1], [], []>, transpose_lhs_hint = false} : vector<128x128xf32>, vector<128x32xf32>, vector<128x32xf32> -> vector<128x32xf32>
    %reduce_sum3A_162 = arith.constant dense<0.000000e+00> : vector<32xf32>
    %reduce_sum3A_163 = vector.multi_reduction <add>, %convert_element_type3A_159, %reduce_sum3A_162 [0] : vector<128x32xf32> to vector<32xf32>
    %broadcast_in_dim3A_164 = vector.shape_cast %reduce_sum3A_163 : vector<32xf32> to vector<1x32xf32>
    %dot_general3A_165 = arith.constant dense<0.000000e+00> : vector<1x32xf32>
    %dot_general3A_166 = tpu.matmul %broadcast_in_dim3A_164, %convert_element_type3A_30, %dot_general3A_165 {dimension_numbers = #tpu.dot_dimension_numbers<[1], [0], [0], [1], [0, 0, 1, 1], [], []>, transpose_lhs_hint = false} : vector<1x32xf32>, vector<32x32xf32>, vector<1x32xf32> -> vector<1x32xf32>
    %convert_element_type3A_167 = arith.sitofp %add3A_154 : i32 to f32
    %add3A_168 = vector.broadcast %dot_general3A_166 : vector<1x32xf32> to vector<128x32xf32>
    %add3A_169 = arith.addf %dot_general3A_161, %add3A_168 : vector<128x32xf32>
    %add3A_170 = vector.broadcast %convert_element_type3A_167 : f32 to vector<128x32xf32>
    %add3A_171 = arith.addf %add3A_169, %add3A_170 : vector<128x32xf32>
    %mul3A_172 = arith.mulf %convert_element_type3A_159, %add3A_171 : vector<128x32xf32>
    %add3A_173 = arith.addf %add3A_112, %mul3A_172 : vector<128x32xf32>
    %ge3A_174 = vector.broadcast %convert_element_type3A_167 : f32 to vector<1x64xf32>
    %ge3A_175 = arith.cmpf oge, %mul3A_34, %ge3A_174 : vector<1x64xf32>
    %convert_element_type3A_176 = arith.extui %ge3A_175 : vector<1x64xi1> to vector<1x64xi32>
    %convert_element_type3A_177 = arith.sitofp %convert_element_type3A_176 : vector<1x64xi32> to vector<1x64xf32>
    %add3A_178 = arith.addf %add3A_117, %convert_element_type3A_177 : vector<1x64xf32>
    %reduce_sum3A_179 = vector.shape_cast %convert_element_type3A_159 : vector<128x32xf32> to vector<1x128x32xf32>
    %reduce_sum3A_180 = arith.constant dense<0.000000e+00> : vector<1xf32>
    %reduce_sum3A_181 = vector.multi_reduction <add>, %reduce_sum3A_179, %reduce_sum3A_180 [1, 2] : vector<1x128x32xf32> to vector<1xf32>
    %reduce_sum3A_182 = vector.shape_cast %reduce_sum3A_181 : vector<1xf32> to vector<1x1x1xf32>
    %reduce_sum3A_183 = vector.extract %reduce_sum3A_182[0, 0, 0] : f32 from vector<1x1x1xf32>
    %convert_element_type3A_184 = arith.fptosi %reduce_sum3A_183 : f32 to i32
    %add3A_185 = arith.constant 128 : i32
    %add3A_186 = arith.addi %convert_element_type3A_184, %add3A_185 : i32
    %sub3A_187 = arith.constant 1 : i32
    %sub3A_188 = arith.subi %add3A_186, %sub3A_187 : i32
    %jit3A_189 = arith.constant 128 : i32
    %div3A_190 = arith.divsi %sub3A_188, %jit3A_189 : i32
    %sign3A_191 = arith.constant 0 : i32
    %sign3A_192 = arith.cmpi sgt, %sub3A_188, %sign3A_191 : i32
    %sign3A_193 = arith.extui %sign3A_192 : i1 to i32
    %sign3A_194 = arith.constant 0 : i32
    %sign3A_195 = arith.cmpi slt, %sub3A_188, %sign3A_194 : i32
    %sign3A_196 = arith.extui %sign3A_195 : i1 to i32
    %sign3A_197 = arith.subi %sign3A_193, %sign3A_196 : i32
    %sign3A_198 = arith.constant 0 : i32
    %sign3A_199 = arith.cmpi sgt, %jit3A_189, %sign3A_198 : i32
    %sign3A_200 = arith.extui %sign3A_199 : i1 to i32
    %sign3A_201 = arith.constant 0 : i32
    %sign3A_202 = arith.cmpi slt, %jit3A_189, %sign3A_201 : i32
    %sign3A_203 = arith.extui %sign3A_202 : i1 to i32
    %sign3A_204 = arith.subi %sign3A_200, %sign3A_203 : i32
    %ne3A_205 = arith.cmpi ne, %sign3A_197, %sign3A_204 : i32
    %rem3A_206 = arith.remsi %sub3A_188, %jit3A_189 : i32
    %ne3A_207 = arith.constant 0 : i32
    %ne3A_208 = arith.cmpi ne, %rem3A_206, %ne3A_207 : i32
    %and3A_209 = arith.andi %ne3A_205, %ne3A_208 : i1
    %sub3A_210 = arith.constant 1 : i32
    %sub3A_211 = arith.subi %div3A_190, %sub3A_210 : i32
    %select_n3A_212 = arith.select %and3A_209, %sub3A_211, %div3A_190 : i32
    %mul3A_213 = arith.constant 128 : i32
    %mul3A_214 = arith.muli %select_n3A_212, %mul3A_213 : i32
    %add3A_215 = arith.addi %add3A_154, %mul3A_214 : i32
    %eq3A_216 = arith.constant 3.000000e+00 : f32
    %eq3A_217 = vector.broadcast %eq3A_216 : f32 to vector<128x32xf32>
    %eq3A_218 = arith.cmpf oeq, %concatenate3A, %eq3A_217 : vector<128x32xf32>
    %convert_element_type3A_219 = arith.extui %eq3A_218 : vector<128x32xi1> to vector<128x32xi32>
    %convert_element_type3A_220 = arith.sitofp %convert_element_type3A_219 : vector<128x32xi32> to vector<128x32xf32>
    %dot_general3A_221 = arith.constant dense<0.000000e+00> : vector<128x32xf32>
    %dot_general3A_222 = tpu.matmul %convert_element_type3A_18, %convert_element_type3A_220, %dot_general3A_221 {dimension_numbers = #tpu.dot_dimension_numbers<[1], [0], [0], [1], [0, 0, 1, 1], [], []>, transpose_lhs_hint = false} : vector<128x128xf32>, vector<128x32xf32>, vector<128x32xf32> -> vector<128x32xf32>
    %reduce_sum3A_223 = arith.constant dense<0.000000e+00> : vector<32xf32>
    %reduce_sum3A_224 = vector.multi_reduction <add>, %convert_element_type3A_220, %reduce_sum3A_223 [0] : vector<128x32xf32> to vector<32xf32>
    %broadcast_in_dim3A_225 = vector.shape_cast %reduce_sum3A_224 : vector<32xf32> to vector<1x32xf32>
    %dot_general3A_226 = arith.constant dense<0.000000e+00> : vector<1x32xf32>
    %dot_general3A_227 = tpu.matmul %broadcast_in_dim3A_225, %convert_element_type3A_30, %dot_general3A_226 {dimension_numbers = #tpu.dot_dimension_numbers<[1], [0], [0], [1], [0, 0, 1, 1], [], []>, transpose_lhs_hint = false} : vector<1x32xf32>, vector<32x32xf32>, vector<1x32xf32> -> vector<1x32xf32>
    %convert_element_type3A_228 = arith.sitofp %add3A_215 : i32 to f32
    %add3A_229 = vector.broadcast %dot_general3A_227 : vector<1x32xf32> to vector<128x32xf32>
    %add3A_230 = arith.addf %dot_general3A_222, %add3A_229 : vector<128x32xf32>
    %add3A_231 = vector.broadcast %convert_element_type3A_228 : f32 to vector<128x32xf32>
    %add3A_232 = arith.addf %add3A_230, %add3A_231 : vector<128x32xf32>
    %mul3A_233 = arith.mulf %convert_element_type3A_220, %add3A_232 : vector<128x32xf32>
    %add3A_234 = arith.addf %add3A_173, %mul3A_233 : vector<128x32xf32>
    %ge3A_235 = vector.broadcast %convert_element_type3A_228 : f32 to vector<1x64xf32>
    %ge3A_236 = arith.cmpf oge, %mul3A_34, %ge3A_235 : vector<1x64xf32>
    %convert_element_type3A_237 = arith.extui %ge3A_236 : vector<1x64xi1> to vector<1x64xi32>
    %convert_element_type3A_238 = arith.sitofp %convert_element_type3A_237 : vector<1x64xi32> to vector<1x64xf32>
    %add3A_239 = arith.addf %add3A_178, %convert_element_type3A_238 : vector<1x64xf32>
    %reduce_sum3A_240 = vector.shape_cast %convert_element_type3A_220 : vector<128x32xf32> to vector<1x128x32xf32>
    %reduce_sum3A_241 = arith.constant dense<0.000000e+00> : vector<1xf32>
    %reduce_sum3A_242 = vector.multi_reduction <add>, %reduce_sum3A_240, %reduce_sum3A_241 [1, 2] : vector<1x128x32xf32> to vector<1xf32>
    %reduce_sum3A_243 = vector.shape_cast %reduce_sum3A_242 : vector<1xf32> to vector<1x1x1xf32>
    %reduce_sum3A_244 = vector.extract %reduce_sum3A_243[0, 0, 0] : f32 from vector<1x1x1xf32>
    %convert_element_type3A_245 = arith.fptosi %reduce_sum3A_244 : f32 to i32
    %add3A_246 = arith.constant 128 : i32
    %add3A_247 = arith.addi %convert_element_type3A_245, %add3A_246 : i32
    %sub3A_248 = arith.constant 1 : i32
    %sub3A_249 = arith.subi %add3A_247, %sub3A_248 : i32
    %jit3A_250 = arith.constant 128 : i32
    %div3A_251 = arith.divsi %sub3A_249, %jit3A_250 : i32
    %sign3A_252 = arith.constant 0 : i32
    %sign3A_253 = arith.cmpi sgt, %sub3A_249, %sign3A_252 : i32
    %sign3A_254 = arith.extui %sign3A_253 : i1 to i32
    %sign3A_255 = arith.constant 0 : i32
    %sign3A_256 = arith.cmpi slt, %sub3A_249, %sign3A_255 : i32
    %sign3A_257 = arith.extui %sign3A_256 : i1 to i32
    %sign3A_258 = arith.subi %sign3A_254, %sign3A_257 : i32
    %sign3A_259 = arith.constant 0 : i32
    %sign3A_260 = arith.cmpi sgt, %jit3A_250, %sign3A_259 : i32
    %sign3A_261 = arith.extui %sign3A_260 : i1 to i32
    %sign3A_262 = arith.constant 0 : i32
    %sign3A_263 = arith.cmpi slt, %jit3A_250, %sign3A_262 : i32
    %sign3A_264 = arith.extui %sign3A_263 : i1 to i32
    %sign3A_265 = arith.subi %sign3A_261, %sign3A_264 : i32
    %ne3A_266 = arith.cmpi ne, %sign3A_258, %sign3A_265 : i32
    %rem3A_267 = arith.remsi %sub3A_249, %jit3A_250 : i32
    %ne3A_268 = arith.constant 0 : i32
    %ne3A_269 = arith.cmpi ne, %rem3A_267, %ne3A_268 : i32
    %and3A_270 = arith.andi %ne3A_266, %ne3A_269 : i1
    %sub3A_271 = arith.constant 1 : i32
    %sub3A_272 = arith.subi %div3A_251, %sub3A_271 : i32
    %select_n3A_273 = arith.select %and3A_270, %sub3A_272, %div3A_251 : i32
    %mul3A_274 = arith.constant 128 : i32
    %mul3A_275 = arith.muli %select_n3A_273, %mul3A_274 : i32
    %add3A_276 = arith.addi %add3A_215, %mul3A_275 : i32
    %eq3A_277 = arith.constant 4.000000e+00 : f32
    %eq3A_278 = vector.broadcast %eq3A_277 : f32 to vector<128x32xf32>
    %eq3A_279 = arith.cmpf oeq, %concatenate3A, %eq3A_278 : vector<128x32xf32>
    %convert_element_type3A_280 = arith.extui %eq3A_279 : vector<128x32xi1> to vector<128x32xi32>
    %convert_element_type3A_281 = arith.sitofp %convert_element_type3A_280 : vector<128x32xi32> to vector<128x32xf32>
    %dot_general3A_282 = arith.constant dense<0.000000e+00> : vector<128x32xf32>
    %dot_general3A_283 = tpu.matmul %convert_element_type3A_18, %convert_element_type3A_281, %dot_general3A_282 {dimension_numbers = #tpu.dot_dimension_numbers<[1], [0], [0], [1], [0, 0, 1, 1], [], []>, transpose_lhs_hint = false} : vector<128x128xf32>, vector<128x32xf32>, vector<128x32xf32> -> vector<128x32xf32>
    %reduce_sum3A_284 = arith.constant dense<0.000000e+00> : vector<32xf32>
    %reduce_sum3A_285 = vector.multi_reduction <add>, %convert_element_type3A_281, %reduce_sum3A_284 [0] : vector<128x32xf32> to vector<32xf32>
    %broadcast_in_dim3A_286 = vector.shape_cast %reduce_sum3A_285 : vector<32xf32> to vector<1x32xf32>
    %dot_general3A_287 = arith.constant dense<0.000000e+00> : vector<1x32xf32>
    %dot_general3A_288 = tpu.matmul %broadcast_in_dim3A_286, %convert_element_type3A_30, %dot_general3A_287 {dimension_numbers = #tpu.dot_dimension_numbers<[1], [0], [0], [1], [0, 0, 1, 1], [], []>, transpose_lhs_hint = false} : vector<1x32xf32>, vector<32x32xf32>, vector<1x32xf32> -> vector<1x32xf32>
    %convert_element_type3A_289 = arith.sitofp %add3A_276 : i32 to f32
    %add3A_290 = vector.broadcast %dot_general3A_288 : vector<1x32xf32> to vector<128x32xf32>
    %add3A_291 = arith.addf %dot_general3A_283, %add3A_290 : vector<128x32xf32>
    %add3A_292 = vector.broadcast %convert_element_type3A_289 : f32 to vector<128x32xf32>
    %add3A_293 = arith.addf %add3A_291, %add3A_292 : vector<128x32xf32>
    %mul3A_294 = arith.mulf %convert_element_type3A_281, %add3A_293 : vector<128x32xf32>
    %add3A_295 = arith.addf %add3A_234, %mul3A_294 : vector<128x32xf32>
    %ge3A_296 = vector.broadcast %convert_element_type3A_289 : f32 to vector<1x64xf32>
    %ge3A_297 = arith.cmpf oge, %mul3A_34, %ge3A_296 : vector<1x64xf32>
    %convert_element_type3A_298 = arith.extui %ge3A_297 : vector<1x64xi1> to vector<1x64xi32>
    %convert_element_type3A_299 = arith.sitofp %convert_element_type3A_298 : vector<1x64xi32> to vector<1x64xf32>
    %add3A_300 = arith.addf %add3A_239, %convert_element_type3A_299 : vector<1x64xf32>
    %reduce_sum3A_301 = vector.shape_cast %convert_element_type3A_281 : vector<128x32xf32> to vector<1x128x32xf32>
    %reduce_sum3A_302 = arith.constant dense<0.000000e+00> : vector<1xf32>
    %reduce_sum3A_303 = vector.multi_reduction <add>, %reduce_sum3A_301, %reduce_sum3A_302 [1, 2] : vector<1x128x32xf32> to vector<1xf32>
    %reduce_sum3A_304 = vector.shape_cast %reduce_sum3A_303 : vector<1xf32> to vector<1x1x1xf32>
    %reduce_sum3A_305 = vector.extract %reduce_sum3A_304[0, 0, 0] : f32 from vector<1x1x1xf32>
    %convert_element_type3A_306 = arith.fptosi %reduce_sum3A_305 : f32 to i32
    %add3A_307 = arith.constant 128 : i32
    %add3A_308 = arith.addi %convert_element_type3A_306, %add3A_307 : i32
    %sub3A_309 = arith.constant 1 : i32
    %sub3A_310 = arith.subi %add3A_308, %sub3A_309 : i32
    %jit3A_311 = arith.constant 128 : i32
    %div3A_312 = arith.divsi %sub3A_310, %jit3A_311 : i32
    %sign3A_313 = arith.constant 0 : i32
    %sign3A_314 = arith.cmpi sgt, %sub3A_310, %sign3A_313 : i32
    %sign3A_315 = arith.extui %sign3A_314 : i1 to i32
    %sign3A_316 = arith.constant 0 : i32
    %sign3A_317 = arith.cmpi slt, %sub3A_310, %sign3A_316 : i32
    %sign3A_318 = arith.extui %sign3A_317 : i1 to i32
    %sign3A_319 = arith.subi %sign3A_315, %sign3A_318 : i32
    %sign3A_320 = arith.constant 0 : i32
    %sign3A_321 = arith.cmpi sgt, %jit3A_311, %sign3A_320 : i32
    %sign3A_322 = arith.extui %sign3A_321 : i1 to i32
    %sign3A_323 = arith.constant 0 : i32
    %sign3A_324 = arith.cmpi slt, %jit3A_311, %sign3A_323 : i32
    %sign3A_325 = arith.extui %sign3A_324 : i1 to i32
    %sign3A_326 = arith.subi %sign3A_322, %sign3A_325 : i32
    %ne3A_327 = arith.cmpi ne, %sign3A_319, %sign3A_326 : i32
    %rem3A_328 = arith.remsi %sub3A_310, %jit3A_311 : i32
    %ne3A_329 = arith.constant 0 : i32
    %ne3A_330 = arith.cmpi ne, %rem3A_328, %ne3A_329 : i32
    %and3A_331 = arith.andi %ne3A_327, %ne3A_330 : i1
    %sub3A_332 = arith.constant 1 : i32
    %sub3A_333 = arith.subi %div3A_312, %sub3A_332 : i32
    %select_n3A_334 = arith.select %and3A_331, %sub3A_333, %div3A_312 : i32
    %mul3A_335 = arith.constant 128 : i32
    %mul3A_336 = arith.muli %select_n3A_334, %mul3A_335 : i32
    %add3A_337 = arith.addi %add3A_276, %mul3A_336 : i32
    %eq3A_338 = arith.constant 5.000000e+00 : f32
    %eq3A_339 = vector.broadcast %eq3A_338 : f32 to vector<128x32xf32>
    %eq3A_340 = arith.cmpf oeq, %concatenate3A, %eq3A_339 : vector<128x32xf32>
    %convert_element_type3A_341 = arith.extui %eq3A_340 : vector<128x32xi1> to vector<128x32xi32>
    %convert_element_type3A_342 = arith.sitofp %convert_element_type3A_341 : vector<128x32xi32> to vector<128x32xf32>
    %dot_general3A_343 = arith.constant dense<0.000000e+00> : vector<128x32xf32>
    %dot_general3A_344 = tpu.matmul %convert_element_type3A_18, %convert_element_type3A_342, %dot_general3A_343 {dimension_numbers = #tpu.dot_dimension_numbers<[1], [0], [0], [1], [0, 0, 1, 1], [], []>, transpose_lhs_hint = false} : vector<128x128xf32>, vector<128x32xf32>, vector<128x32xf32> -> vector<128x32xf32>
    %reduce_sum3A_345 = arith.constant dense<0.000000e+00> : vector<32xf32>
    %reduce_sum3A_346 = vector.multi_reduction <add>, %convert_element_type3A_342, %reduce_sum3A_345 [0] : vector<128x32xf32> to vector<32xf32>
    %broadcast_in_dim3A_347 = vector.shape_cast %reduce_sum3A_346 : vector<32xf32> to vector<1x32xf32>
    %dot_general3A_348 = arith.constant dense<0.000000e+00> : vector<1x32xf32>
    %dot_general3A_349 = tpu.matmul %broadcast_in_dim3A_347, %convert_element_type3A_30, %dot_general3A_348 {dimension_numbers = #tpu.dot_dimension_numbers<[1], [0], [0], [1], [0, 0, 1, 1], [], []>, transpose_lhs_hint = false} : vector<1x32xf32>, vector<32x32xf32>, vector<1x32xf32> -> vector<1x32xf32>
    %convert_element_type3A_350 = arith.sitofp %add3A_337 : i32 to f32
    %add3A_351 = vector.broadcast %dot_general3A_349 : vector<1x32xf32> to vector<128x32xf32>
    %add3A_352 = arith.addf %dot_general3A_344, %add3A_351 : vector<128x32xf32>
    %add3A_353 = vector.broadcast %convert_element_type3A_350 : f32 to vector<128x32xf32>
    %add3A_354 = arith.addf %add3A_352, %add3A_353 : vector<128x32xf32>
    %mul3A_355 = arith.mulf %convert_element_type3A_342, %add3A_354 : vector<128x32xf32>
    %add3A_356 = arith.addf %add3A_295, %mul3A_355 : vector<128x32xf32>
    %ge3A_357 = vector.broadcast %convert_element_type3A_350 : f32 to vector<1x64xf32>
    %ge3A_358 = arith.cmpf oge, %mul3A_34, %ge3A_357 : vector<1x64xf32>
    %convert_element_type3A_359 = arith.extui %ge3A_358 : vector<1x64xi1> to vector<1x64xi32>
    %convert_element_type3A_360 = arith.sitofp %convert_element_type3A_359 : vector<1x64xi32> to vector<1x64xf32>
    %add3A_361 = arith.addf %add3A_300, %convert_element_type3A_360 : vector<1x64xf32>
    %reduce_sum3A_362 = vector.shape_cast %convert_element_type3A_342 : vector<128x32xf32> to vector<1x128x32xf32>
    %reduce_sum3A_363 = arith.constant dense<0.000000e+00> : vector<1xf32>
    %reduce_sum3A_364 = vector.multi_reduction <add>, %reduce_sum3A_362, %reduce_sum3A_363 [1, 2] : vector<1x128x32xf32> to vector<1xf32>
    %reduce_sum3A_365 = vector.shape_cast %reduce_sum3A_364 : vector<1xf32> to vector<1x1x1xf32>
    %reduce_sum3A_366 = vector.extract %reduce_sum3A_365[0, 0, 0] : f32 from vector<1x1x1xf32>
    %convert_element_type3A_367 = arith.fptosi %reduce_sum3A_366 : f32 to i32
    %add3A_368 = arith.constant 128 : i32
    %add3A_369 = arith.addi %convert_element_type3A_367, %add3A_368 : i32
    %sub3A_370 = arith.constant 1 : i32
    %sub3A_371 = arith.subi %add3A_369, %sub3A_370 : i32
    %jit3A_372 = arith.constant 128 : i32
    %div3A_373 = arith.divsi %sub3A_371, %jit3A_372 : i32
    %sign3A_374 = arith.constant 0 : i32
    %sign3A_375 = arith.cmpi sgt, %sub3A_371, %sign3A_374 : i32
    %sign3A_376 = arith.extui %sign3A_375 : i1 to i32
    %sign3A_377 = arith.constant 0 : i32
    %sign3A_378 = arith.cmpi slt, %sub3A_371, %sign3A_377 : i32
    %sign3A_379 = arith.extui %sign3A_378 : i1 to i32
    %sign3A_380 = arith.subi %sign3A_376, %sign3A_379 : i32
    %sign3A_381 = arith.constant 0 : i32
    %sign3A_382 = arith.cmpi sgt, %jit3A_372, %sign3A_381 : i32
    %sign3A_383 = arith.extui %sign3A_382 : i1 to i32
    %sign3A_384 = arith.constant 0 : i32
    %sign3A_385 = arith.cmpi slt, %jit3A_372, %sign3A_384 : i32
    %sign3A_386 = arith.extui %sign3A_385 : i1 to i32
    %sign3A_387 = arith.subi %sign3A_383, %sign3A_386 : i32
    %ne3A_388 = arith.cmpi ne, %sign3A_380, %sign3A_387 : i32
    %rem3A_389 = arith.remsi %sub3A_371, %jit3A_372 : i32
    %ne3A_390 = arith.constant 0 : i32
    %ne3A_391 = arith.cmpi ne, %rem3A_389, %ne3A_390 : i32
    %and3A_392 = arith.andi %ne3A_388, %ne3A_391 : i1
    %sub3A_393 = arith.constant 1 : i32
    %sub3A_394 = arith.subi %div3A_373, %sub3A_393 : i32
    %select_n3A_395 = arith.select %and3A_392, %sub3A_394, %div3A_373 : i32
    %mul3A_396 = arith.constant 128 : i32
    %mul3A_397 = arith.muli %select_n3A_395, %mul3A_396 : i32
    %add3A_398 = arith.addi %add3A_337, %mul3A_397 : i32
    %eq3A_399 = arith.constant 6.000000e+00 : f32
    %eq3A_400 = vector.broadcast %eq3A_399 : f32 to vector<128x32xf32>
    %eq3A_401 = arith.cmpf oeq, %concatenate3A, %eq3A_400 : vector<128x32xf32>
    %convert_element_type3A_402 = arith.extui %eq3A_401 : vector<128x32xi1> to vector<128x32xi32>
    %convert_element_type3A_403 = arith.sitofp %convert_element_type3A_402 : vector<128x32xi32> to vector<128x32xf32>
    %dot_general3A_404 = arith.constant dense<0.000000e+00> : vector<128x32xf32>
    %dot_general3A_405 = tpu.matmul %convert_element_type3A_18, %convert_element_type3A_403, %dot_general3A_404 {dimension_numbers = #tpu.dot_dimension_numbers<[1], [0], [0], [1], [0, 0, 1, 1], [], []>, transpose_lhs_hint = false} : vector<128x128xf32>, vector<128x32xf32>, vector<128x32xf32> -> vector<128x32xf32>
    %reduce_sum3A_406 = arith.constant dense<0.000000e+00> : vector<32xf32>
    %reduce_sum3A_407 = vector.multi_reduction <add>, %convert_element_type3A_403, %reduce_sum3A_406 [0] : vector<128x32xf32> to vector<32xf32>
    %broadcast_in_dim3A_408 = vector.shape_cast %reduce_sum3A_407 : vector<32xf32> to vector<1x32xf32>
    %dot_general3A_409 = arith.constant dense<0.000000e+00> : vector<1x32xf32>
    %dot_general3A_410 = tpu.matmul %broadcast_in_dim3A_408, %convert_element_type3A_30, %dot_general3A_409 {dimension_numbers = #tpu.dot_dimension_numbers<[1], [0], [0], [1], [0, 0, 1, 1], [], []>, transpose_lhs_hint = false} : vector<1x32xf32>, vector<32x32xf32>, vector<1x32xf32> -> vector<1x32xf32>
    %convert_element_type3A_411 = arith.sitofp %add3A_398 : i32 to f32
    %add3A_412 = vector.broadcast %dot_general3A_410 : vector<1x32xf32> to vector<128x32xf32>
    %add3A_413 = arith.addf %dot_general3A_405, %add3A_412 : vector<128x32xf32>
    %add3A_414 = vector.broadcast %convert_element_type3A_411 : f32 to vector<128x32xf32>
    %add3A_415 = arith.addf %add3A_413, %add3A_414 : vector<128x32xf32>
    %mul3A_416 = arith.mulf %convert_element_type3A_403, %add3A_415 : vector<128x32xf32>
    %add3A_417 = arith.addf %add3A_356, %mul3A_416 : vector<128x32xf32>
    %ge3A_418 = vector.broadcast %convert_element_type3A_411 : f32 to vector<1x64xf32>
    %ge3A_419 = arith.cmpf oge, %mul3A_34, %ge3A_418 : vector<1x64xf32>
    %convert_element_type3A_420 = arith.extui %ge3A_419 : vector<1x64xi1> to vector<1x64xi32>
    %convert_element_type3A_421 = arith.sitofp %convert_element_type3A_420 : vector<1x64xi32> to vector<1x64xf32>
    %add3A_422 = arith.addf %add3A_361, %convert_element_type3A_421 : vector<1x64xf32>
    %reduce_sum3A_423 = vector.shape_cast %convert_element_type3A_403 : vector<128x32xf32> to vector<1x128x32xf32>
    %reduce_sum3A_424 = arith.constant dense<0.000000e+00> : vector<1xf32>
    %reduce_sum3A_425 = vector.multi_reduction <add>, %reduce_sum3A_423, %reduce_sum3A_424 [1, 2] : vector<1x128x32xf32> to vector<1xf32>
    %reduce_sum3A_426 = vector.shape_cast %reduce_sum3A_425 : vector<1xf32> to vector<1x1x1xf32>
    %reduce_sum3A_427 = vector.extract %reduce_sum3A_426[0, 0, 0] : f32 from vector<1x1x1xf32>
    %convert_element_type3A_428 = arith.fptosi %reduce_sum3A_427 : f32 to i32
    %add3A_429 = arith.constant 128 : i32
    %add3A_430 = arith.addi %convert_element_type3A_428, %add3A_429 : i32
    %sub3A_431 = arith.constant 1 : i32
    %sub3A_432 = arith.subi %add3A_430, %sub3A_431 : i32
    %jit3A_433 = arith.constant 128 : i32
    %div3A_434 = arith.divsi %sub3A_432, %jit3A_433 : i32
    %sign3A_435 = arith.constant 0 : i32
    %sign3A_436 = arith.cmpi sgt, %sub3A_432, %sign3A_435 : i32
    %sign3A_437 = arith.extui %sign3A_436 : i1 to i32
    %sign3A_438 = arith.constant 0 : i32
    %sign3A_439 = arith.cmpi slt, %sub3A_432, %sign3A_438 : i32
    %sign3A_440 = arith.extui %sign3A_439 : i1 to i32
    %sign3A_441 = arith.subi %sign3A_437, %sign3A_440 : i32
    %sign3A_442 = arith.constant 0 : i32
    %sign3A_443 = arith.cmpi sgt, %jit3A_433, %sign3A_442 : i32
    %sign3A_444 = arith.extui %sign3A_443 : i1 to i32
    %sign3A_445 = arith.constant 0 : i32
    %sign3A_446 = arith.cmpi slt, %jit3A_433, %sign3A_445 : i32
    %sign3A_447 = arith.extui %sign3A_446 : i1 to i32
    %sign3A_448 = arith.subi %sign3A_444, %sign3A_447 : i32
    %ne3A_449 = arith.cmpi ne, %sign3A_441, %sign3A_448 : i32
    %rem3A_450 = arith.remsi %sub3A_432, %jit3A_433 : i32
    %ne3A_451 = arith.constant 0 : i32
    %ne3A_452 = arith.cmpi ne, %rem3A_450, %ne3A_451 : i32
    %and3A_453 = arith.andi %ne3A_449, %ne3A_452 : i1
    %sub3A_454 = arith.constant 1 : i32
    %sub3A_455 = arith.subi %div3A_434, %sub3A_454 : i32
    %select_n3A_456 = arith.select %and3A_453, %sub3A_455, %div3A_434 : i32
    %mul3A_457 = arith.constant 128 : i32
    %mul3A_458 = arith.muli %select_n3A_456, %mul3A_457 : i32
    %add3A_459 = arith.addi %add3A_398, %mul3A_458 : i32
    %eq3A_460 = arith.constant 7.000000e+00 : f32
    %eq3A_461 = vector.broadcast %eq3A_460 : f32 to vector<128x32xf32>
    %eq3A_462 = arith.cmpf oeq, %concatenate3A, %eq3A_461 : vector<128x32xf32>
    %convert_element_type3A_463 = arith.extui %eq3A_462 : vector<128x32xi1> to vector<128x32xi32>
    %convert_element_type3A_464 = arith.sitofp %convert_element_type3A_463 : vector<128x32xi32> to vector<128x32xf32>
    %dot_general3A_465 = arith.constant dense<0.000000e+00> : vector<128x32xf32>
    %dot_general3A_466 = tpu.matmul %convert_element_type3A_18, %convert_element_type3A_464, %dot_general3A_465 {dimension_numbers = #tpu.dot_dimension_numbers<[1], [0], [0], [1], [0, 0, 1, 1], [], []>, transpose_lhs_hint = false} : vector<128x128xf32>, vector<128x32xf32>, vector<128x32xf32> -> vector<128x32xf32>
    %reduce_sum3A_467 = arith.constant dense<0.000000e+00> : vector<32xf32>
    %reduce_sum3A_468 = vector.multi_reduction <add>, %convert_element_type3A_464, %reduce_sum3A_467 [0] : vector<128x32xf32> to vector<32xf32>
    %broadcast_in_dim3A_469 = vector.shape_cast %reduce_sum3A_468 : vector<32xf32> to vector<1x32xf32>
    %dot_general3A_470 = arith.constant dense<0.000000e+00> : vector<1x32xf32>
    %dot_general3A_471 = tpu.matmul %broadcast_in_dim3A_469, %convert_element_type3A_30, %dot_general3A_470 {dimension_numbers = #tpu.dot_dimension_numbers<[1], [0], [0], [1], [0, 0, 1, 1], [], []>, transpose_lhs_hint = false} : vector<1x32xf32>, vector<32x32xf32>, vector<1x32xf32> -> vector<1x32xf32>
    %convert_element_type3A_472 = arith.sitofp %add3A_459 : i32 to f32
    %add3A_473 = vector.broadcast %dot_general3A_471 : vector<1x32xf32> to vector<128x32xf32>
    %add3A_474 = arith.addf %dot_general3A_466, %add3A_473 : vector<128x32xf32>
    %add3A_475 = vector.broadcast %convert_element_type3A_472 : f32 to vector<128x32xf32>
    %add3A_476 = arith.addf %add3A_474, %add3A_475 : vector<128x32xf32>
    %mul3A_477 = arith.mulf %convert_element_type3A_464, %add3A_476 : vector<128x32xf32>
    %add3A_478 = arith.addf %add3A_417, %mul3A_477 : vector<128x32xf32>
    %ge3A_479 = vector.broadcast %convert_element_type3A_472 : f32 to vector<1x64xf32>
    %ge3A_480 = arith.cmpf oge, %mul3A_34, %ge3A_479 : vector<1x64xf32>
    %convert_element_type3A_481 = arith.extui %ge3A_480 : vector<1x64xi1> to vector<1x64xi32>
    %convert_element_type3A_482 = arith.sitofp %convert_element_type3A_481 : vector<1x64xi32> to vector<1x64xf32>
    %add3A_483 = arith.addf %add3A_422, %convert_element_type3A_482 : vector<1x64xf32>
    %convert_element_type3A_484 = arith.fptosi %add3A_478 : vector<128x32xf32> to vector<128x32xi32>
    %swap3A = arith.constant 0 : index
    %swap3A_485 = arith.constant 0 : index
    %swap3A_486 = vector.load %arg4[%swap3A, %swap3A_485] : memref<128x32xi32, #tpu.memory_space<vmem>>, vector<128x32xi32>
    tpu.vector_store %arg4[%swap3A, %swap3A_485], %convert_element_type3A_484 {strides = array<i32>} : memref<128x32xi32, #tpu.memory_space<vmem>>, vector<128x32xi32>,
    %sub3A_487 = arith.constant 1.000000e+00 : f32
    %sub3A_488 = vector.broadcast %sub3A_487 : f32 to vector<1x64xf32>
    %sub3A_489 = arith.subf %add3A_483, %sub3A_488 : vector<1x64xf32>
    %convert_element_type3A_490 = arith.fptosi %sub3A_489 : vector<1x64xf32> to vector<1x64xi32>
    %swap3A_491 = arith.constant 0 : index
    %swap3A_492 = arith.constant 0 : index
    %swap3A_493 = vector.load %arg5[%swap3A_491, %swap3A_492] : memref<1x64xi32, #tpu.memory_space<vmem>>, vector<1x64xi32>
    tpu.vector_store %arg5[%swap3A_491, %swap3A_492], %convert_element_type3A_490 {strides = array<i32>} : memref<1x64xi32, #tpu.memory_space<vmem>>, vector<1x64xi32>,
    return
  }
  func.func @transform_0(%arg0: i32) -> (i32, i32) {
    %c0_i32 = arith.constant 0 : i32
    %c0_i32_0 = arith.constant 0 : i32
    %c0_i32_1 = arith.constant 0 : i32
    return %c0_i32, %c0_i32_0 : i32, i32
  }
  func.func @transform_1(%arg0: i32) -> (i32, i32) {
    %c0_i32 = arith.constant 0 : i32
    %c0_i32_0 = arith.constant 0 : i32
    %c0_i32_1 = arith.constant 0 : i32
    return %c0_i32, %c0_i32_0 : i32, i32
  }
  func.func @transform_2(%arg0: i32) -> (i32, i32) {
    %c0_i32 = arith.constant 0 : i32
    %c0_i32_0 = arith.constant 0 : i32
    %c0_i32_1 = arith.constant 0 : i32
    return %c0_i32, %c0_i32_0 : i32, i32
  }
  func.func @transform_3(%arg0: i32) -> (i32, i32) {
    %c0_i32 = arith.constant 0 : i32
    %c0_i32_0 = arith.constant 0 : i32
    %c0_i32_1 = arith.constant 0 : i32
    return %c0_i32, %c0_i32_0 : i32, i32
  }
  func.func @transform_4(%arg0: i32) -> (i32, i32) {
    %c0_i32 = arith.constant 0 : i32
    %c0_i32_0 = arith.constant 0 : i32
    %c0_i32_1 = arith.constant 0 : i32
    return %c0_i32, %c0_i32_0 : i32, i32
  }
}

</mosaic_0001>

<sc_bundles>
// kernel: kernel.4.cloned.1.call-start
scs
__scs_entry_jumppad:
0x0: {  	(pc) =	sbr.rel $0x88, $3  }
0x1: {  	(tag) =	ssettag $0x0;
	lr =	simm.s32 $0x1  }
0x2: {  	[smem:$0x3F9E] =	sst lr;
	_ =	strace $0xD0000000  }
0x3: {  	_ = 	snop  }
0x4: {  	_ = 	snop  }
0x5: {  	_ = 	snop  }
0x6: {  	_ = 	snop  }
0x7: {  	_ = 	snop  }
__scs_overlays_trampoline_lowered:
0x8: {  	[smem:$0x3FAD] =	sst s0  }
0x9: {  	[smem:$0x3FAE] =	sst s1  }
0xa: {  	[smem:$0x3FAF] =	sst s2  }
0xb: {  	[smem:$0x3FB0] =	sst s3  }
0xc: {  	[smem:$0x3FB1] =	sst s4  }
0xd: {  	[smem:$0x3FB2] =	sst s5  }
0xe: {  	[smem:$0x3FB3] =	sst s6  }
0xf: {  	[smem:$0x3FB4] =	sst s7  }
0x10: {  	[smem:$0x3FB5] =	sst s8  }
0x11: {  	[smem:$0x3FB6] =	sst s9;
	s0 =	simm.s32 @!p0 $0x0  }
0x12: {  	s1 =	sld [smem:$0x3F9C];
	s0 =	simm.s32 @p0 $0x1  }
0x13: {  	[smem:$0x3FB7] =	sst s0;
	s0 =	simm.s32 @!p1 $0x0  }
0x14: {  	s2 =	sld [smem:$0x3F9B];
	s0 =	simm.s32 @p1 $0x1  }
0x15: {  	[smem:$0x3FB8] =	sst s0;
	s0 =	simm.s32 @!p2 $0x0  }
0x16: {  	s3 =	sld [smem:$0x3FDB];
	s0 =	simm.s32 @p2 $0x1  }
0x17: {  	s4 =	simm.s32 $0x1BF5;
	[smem:$0x3FBA] =	sst s0  }
0x18: {  	s0 =	sld [smem:$0x3F9D];
	_ =	swait.ge [sflag:s4], $0x0  }
0x19: {  	s7 =	sld [smem:$0x3F9E]  }
0x1a: {  	s8 =	sadd.s32 $0xFFFFE003, lr  }
0x1b: {  	s9 =	sadd.s32 $0xFFFFFEF7, lr;
	s5 =	simm.s32 $0xFFFFFFFF;
	p2 =	slt.u32 s8, $0xFFFFF086  }
0x1c: {  	p1 =	slt.u32 s9, $0xF7A;
	s5 =	simm.s32 @!p2 $0x0  }
0x1d: {  	s5 =	simm.s32 @p1 $0x1;
	p0 =	seq.s32 s7, s2  }
0x1e: {  	s7 =	smul.u32 @!p0 $0xF7A, s2;
	p2 =	seq.s32 @!p0 s5, $0x0  }
0x1f: {  	s9 =	smul.u32 $0xF7A, s1;
	s8 =	simm.s32 @!p0 $0x1BF5;
	p2 =	por !p2, p0  }
0x20: {  	[sflag:s8] =	ssyncset.s32 @!p0 $0xFFFFF086;
	s6 =	sadd.s32 @!p0 s3, s7;
	s7 =	simm.s32 @!p0 $0x108  }
0x21: {  	s3 =	sadd.s32 s3, s9;
	s6 =	sadd.s32 @!p0 $0x88, s6;
	s7 =	simm.s32 @p2 $0x1082  }
0x22: {  	[simem:s7], [sflag:s8] =	dma.local @!p0 [hbm:s6], $0xF7A  }
0x23: {  	s9 =	sor.u32 $0xD0000000, s2;
	s6 =	simm.s32 $0x108;
	_ =	swait.ge @!p0 [sflag:s8], $0x0  }
0x24: {  	s3 =	sadd.s32 $0x88, s3;
	s6 =	simm.s32 @!p1 $0x1082;
	[sflag:s4] =	ssyncset.s32 $0xFFFFF086  }
0x25: {  	[simem:s6], [sflag:s4] =	dma.local [hbm:s3], $0xF7A  }
0x26: {  	[smem:$0x3F9E] =	sst s1;
	(tag) =	ssettag s2;
	_ =	strace s9  }
0x27: {  	s1 =	sld [smem:$0x3FAE]  }
0x28: {  	s2 =	sld [smem:$0x3FAF]  }
0x29: {  	s4 =	sld [smem:$0x3FB1]  }
0x2a: {  	p0 =	seq.s32 s5, $0x0;
	s5 =	sld [smem:$0x3FB2]  }
0x2b: {  	s6 =	sld [smem:$0x3FB3]  }
0x2c: {  	s7 =	sld [smem:$0x3FB4]  }
0x2d: {  	s3 =	simm.s32 $0x108;
	s8 =	sld [smem:$0x3FB5]  }
0x2e: {  	s3 =	simm.s32 @!p0 $0x1082;
	s9 =	sld [smem:$0x3FB6]  }
0x2f: {  	lr =	sadd.s32 s0, s3;
	s0 =	sld [smem:$0x3FAD]  }
0x30: {  	s3 =	sld [smem:$0x3FB0]  }
0x31: {  	[smem:$0x3FB9] =	sst s10  }
0x32: {  	s10 =	sld [smem:$0x3FB7];
	_ =	sdelay $0x3  }
0x33: {  	p0 =	seq.s32 s10, $0x1;
	s10 =	sld [smem:$0x3FB9];
	_ =	sdelay $0x3  }
0x34: {  	[smem:$0x3FB9] =	sst s10  }
0x35: {  	s10 =	sld [smem:$0x3FB8];
	_ =	sdelay $0x3  }
0x36: {  	p1 =	seq.s32 s10, $0x1;
	s10 =	sld [smem:$0x3FB9];
	_ =	sdelay $0x3  }
0x37: {  	[smem:$0x3FB9] =	sst s10  }
0x38: {  	s10 =	sld [smem:$0x3FBA]  }
0x39: {  	_ = 	snop;
	(pc) =	sbr.ind lr, $3  }
0x3a: {  	_ = 	snop  }
0x3b: {  	_ = 	snop  }
0x3c: {  	p2 =	seq.s32 s10, $0x1;
	s10 =	sld [smem:$0x3FB9]  }
0x3d: {  	_ =	shalt  }
0x3e: {  	_ =	shalt  }
0x3f: {  	_ =	shalt  }
0x40: {  	_ =	shalt  }
0x41: {  	_ =	shalt  }
0x42: {  	_ =	shalt  }
0x43: {  	_ =	shalt  }
0x44: {  	_ =	shalt  }
0x45: {  	_ =	shalt  }
0x46: {  	_ =	shalt  }
0x47: {  	_ =	shalt  }
0x48: {  	_ =	shalt  }
0x49: {  	_ =	shalt  }
0x4a: {  	_ =	shalt  }
0x4b: {  	_ =	shalt  }
0x4c: {  	_ =	shalt  }
0x4d: {  	_ =	shalt  }
0x4e: {  	_ =	shalt  }
0x4f: {  	_ =	shalt  }
0x50: {  	_ =	shalt  }
0x51: {  	_ =	shalt  }
0x52: {  	_ =	shalt  }
0x53: {  	_ =	shalt  }
0x54: {  	_ =	shalt  }
0x55: {  	_ =	shalt  }
0x56: {  	_ =	shalt  }
0x57: {  	_ =	shalt  }
0x58: {  	_ =	shalt  }
0x59: {  	_ =	shalt  }
0x5a: {  	_ =	shalt  }
0x5b: {  	_ =	shalt  }
0x5c: {  	_ =	shalt  }
0x5d: {  	_ =	shalt  }
0x5e: {  	_ =	shalt  }
0x5f: {  	_ =	shalt  }
0x60: {  	_ =	shalt  }
0x61: {  	_ =	shalt  }
0x62: {  	_ =	shalt  }
0x63: {  	_ =	shalt  }
0x64: {  	_ =	shalt  }
0x65: {  	_ =	shalt  }
0x66: {  	_ =	shalt  }
0x67: {  	_ =	shalt  }
0x68: {  	_ =	shalt  }
0x69: {  	_ =	shalt  }
0x6a: {  	_ =	shalt  }
0x6b: {  	_ =	shalt  }
0x6c: {  	_ =	shalt  }
0x6d: {  	_ =	shalt  }
0x6e: {  	_ =	shalt  }
0x6f: {  	_ =	shalt  }
0x70: {  	_ =	shalt  }
0x71: {  	_ =	shalt  }
0x72: {  	_ =	shalt  }
0x73: {  	_ =	shalt  }
0x74: {  	_ =	shalt  }
0x75: {  	_ =	shalt  }
0x76: {  	_ =	shalt  }
0x77: {  	_ =	shalt  }
0x78: {  	_ =	shalt  }
0x79: {  	_ =	shalt  }
0x7a: {  	_ =	shalt  }
0x7b: {  	_ =	shalt  }
0x7c: {  	_ =	shalt  }
0x7d: {  	_ =	shalt  }
0x7e: {  	_ =	shalt  }
0x7f: {  	_ =	shalt  }
0x80: {  	_ =	shalt  }
0x81: {  	_ =	shalt  }
0x82: {  	_ =	shalt  }
0x83: {  	_ =	shalt  }
0x84: {  	_ =	shalt  }
0x85: {  	_ =	shalt  }
0x86: {  	_ =	shalt  }
0x87: {  	_ =	shalt  }
.Lfunc_end0:
.L_simem_size_0:
called_computation_lowered:
.L_overlay_start_0:
0x88: {  	s2 =	sld [smem:$0x3FD9]  }
0x89: {  	s3 =	sld [smem:$0x3FFE];
	_ =	sdelay $0x1  }
0x8a: {  	s1 =	srdreg.scid  }
0x8b: {  	s0 =	sand.u32 $0x1, s1  }
0x8c: {  	s17 =	sshll.u32 s0, $0xA;
	s2 =	sadd.s32 s3, s2  }
0x8d: {  	s2 =	sadd.s32 s2, s17  }
0x8e: {  	[smem:$0x3FC5] =	sst s2  }
0x8f: {  	_ = 	snop  }
0x90: {  	s2 =	sld [smem:$0x3FC9];
	(tm) =	ssettm $0x1  }
0x91: {  	s18 =	sld [smem:$0x3FFB];
	_ =	sdelay $0x3  }
0x92: {  	_ =	strace s18  }
0x93: {  	s3 =	sld [smem:$0x3FFC];
	_ =	sdelay $0x3  }
0x94: {  	_ =	strace s3  }
0x95: {  	s3 =	sld [smem:$0x3FFD];
	_ =	sdelay $0x3  }
0x96: {  	_ =	strace s3  }
0x97: {  	_ =	strace $0x8FFFFFFF  }
0x98: {  	s19 =	sld [smem:$0x3FDB];
	_ =	sdelay $0x1  }
0x99: {  	s4 =	simm.s32 $_scs_section_size  }
0x9a: {  	s5 =	simm.s32 $_size__tile_overlayer_lowered;
	s6 =	simm.s32 $_tile_overlayer_lowered  }
0x9b: {  	s22 =	simm.s32 $0x1BFF;
	s21 =	sshll.u32 s6, $0x1;
	s3 =	sadd.s32 s4, s19  }
0x9c: {  	s7 =	simm.s32 $0x0;
	s20 =	sshll.u32 s5, $0x1;
	s5 =	sadd.s32 s21, s3  }
0x9d: {  	[timem:s7], [sflag:s22] =	dma.local [hbm:s5], s20  }
0x9e: {  	_ =	swait.ge [sflag:s22], s20  }
0x9f: {  	s4 =	ssub.s32 $0x0, s20;
	[sflag:s22] =	ssyncset.done $0x0  }
0xa0: {  	[sflag:s22] =	ssyncadd.s32 s4;
	_ =	sdelay $0x1  }
0xa1: {  	s23 =	simm.s32 $0x1B8B  }
0xa2: {  	_ =	swait.ge [sflag:s23], $0x1  }
0xa3: {  	[sflag:s23] =	ssyncset.done $0x0  }
0xa4: {  	s25 =	simm.s32 $0x1B8E;
	s24 =	sld [smem:$0x3FFE];
	[sflag:s23] =	ssyncadd.s32 $0xFFFFFFFF  }
0xa5: {  	s26 =	simm.s32 $execute0_lowered;
	[smem:$0x3FD2] =	sst s25  }
0xa6: {  	s5 =	sshll.u32 s26, $0x1;
	_ =	strace $0x80000046;
	[dreg:$0x1] =	wrdreg $0xFFFFFFFF  }
0xa7: {  	s28 =	simm.s32 $_size_execute0_lowered;
	s3 =	sadd.s32 s3, s5;
	[dreg:$0x0] =	wrdreg $0x0  }
0xa8: {  	s5 =	sshll.u32 s28, $0x1;
	[dreg:$0x2] =	wrdreg s3  }
0xa9: {  	[dreg:$0x3] =	wrdreg s5  }
0xaa: {  	[dreg:$0x4] =	wrdreg $0xC0  }
0xab: {  	_ =	task [dreg:s7], $0x5FFFF  }
0xac: {  	[dreg:$0x1] =	wrdreg $0xFFFFFFFF  }
0xad: {  	[dreg:$0x0] =	wrdreg $0x60  }
0xae: {  	[dreg:$0x2] =	wrdreg s2  }
0xaf: {  	[dreg:$0x3] =	wrdreg s24  }
0xb0: {  	[dreg:$0x4] =	wrdreg $0x9  }
0xb1: {  	_ =	task.clear_ibuf [dreg:s7], $0x5FFFF;
	_ =	strace $0x90000046  }
0xb2: {  	s29 =	simm.s32 $0x9;
	_ =	strace $0x80000048  }
0xb3: {  	_ =	swait.ge [sflag:s29], $0x1  }
0xb4: {  	[sflag:s29] =	ssyncadd.s32 $0xFFFFFFFF  }
0xb5: {  	_ =	strace $0x90000048  }
0xb6: {  	_ =	sfence  }
0xb7: {  	s30 =	sld [smem:$0x0];
	_ =	sdelay $0x2  }
0xb8: {  	s31 =	sshll.u32 s1, $0xD;
	s1 =	sshrl.u32 s1, $0x2  }
0xb9: {  	s3 =	sand.u32 $0x4000, s31;
	s1 =	sadd.s32 s1, s30  }
0xba: {  	s0 =	sor.u32 s3, s0;
	s1 =	sshll.u32 s1, $0x11  }
0xbb: {  	s0 =	sor.u32 s1, s0  }
0xbc: {  	s0 =	sadd.s32 $0x8F2B, s0  }
0xbd: {  	[sflag:s0] =	ssyncadd.remote.s32 $0x1  }
0xbe: {  	_ =	sfence.sel $0xFFFF  }
0xbf: {  	[dreg:$0x0] =	wrdreg $0xFFFFFFFF;
	(pc) =	sbr.abs _section_cstart, $3  }
0xc0: {  	[dreg:$0x1] =	wrdreg $0xFFFFFFFF  }
0xc1: {  	_ =	task.clear_ibuf [dreg:s7], $0x2FFFF;
	_ =	strace $0x9FFFFFFF  }
0xc2: {  	(tm) =	ssettm $0x7FFFFFFF  }
0xc3: {  	_ =	shalt  }
tec
execute0_lowered:
.L_overlay_start_1:
0x0: {  	(tag) =	ssettag $0x1  }
0x1: {  	s1 =	srdreg.scid  }
0x2: {  	s0 =	stileid.u32;
	s4 =	sand.u32 $0x1, s1  }
0x3: {  	s3 =	rddreg [dreg:$0x0];
	s6 =	sshll.u32 s0, $0x4;
	s7 =	sshll.u32 s4, $0x3  }
0x4: {  	s5 =	rddreg [dreg:$0x1];
	s2 =	simm.s32 $0x0;
	s6 =	sor.u32 s7, s6  }
0x5: {  	s1 =	rddreg [dreg:$0x2];
	s30 =	ssub.s32 $0x2, s4;
	s6 =	smul.u32 $0x300, s6  }
0x6: {  	[smem:$0x7FF] =	sst s2;
	s8 =	sshrl.u32 s30, $0x1  }
0x7: {  	_ =	strace $0x80000047;
	s31 =	ssub.s32 s30, s8;
	s4 =	sadd.s32 s3, s6  }
0x8: {  	s3 =	simm.s32 $0x1;
	s5 =	sadd.s32 s6, s5;
	s6 =	smax.u32 s31, $0x1  }
0x9: {  	[tilespmem:s2], [sflag:$0x1] =	stream.linear.gather [hbm4b:s4+s2], $0xC000, $0x38;
	[tilespmem:$0xC000] =	vst v63  }
0xa: {  	p0 =	sne.s32 s6, $0x1;
	_ =	swait.ge [sflag:s3], $0xC000  }
.Ltmp0:
0xb: {  	[sflag:s3] =	ssyncset.done $0x0;
	(pc) =	sbr.rel @!p0 .LBB2_2-.Ltmp0, $4  }
0xc: {  	s5 =	sadd.s32 $0xC00, s5;
	[sflag:s3] =	ssyncadd.s32 $0xFFFF4000  }
0xd: {  	[hbm4b:s5+s2] =	stream.linear.scatter [tilespmem:s2], [sflag:$0x1], $0xC000, $0x38;
	[tilespmem:$0xC000] =	vst v63  }
0xe: {  	_ =	swait.ge [sflag:s3], $0xC000  }
0xf: {  	s6 =	sadd.s32 $0xFFFFFFFF, s6;
	[sflag:s3] =	ssyncset.done $0x0  }
.LBB2_1:
0x10: {  	p0 =	sne.s32 s6, $0x1;
	s6 =	sadd.s32 $0xFFFFFFFF, s6;
	[sflag:s3] =	ssyncadd.s32 $0xFFFF4000  }
0x11: {  	[tilespmem:s2], [sflag:$0x1] =	stream.linear.gather [hbm4b:s4+s2], $0xC000, $0x38;
	[tilespmem:$0xC000] =	vst v63  }
0x12: {  	_ =	swait.ge [sflag:s3], $0xC000  }
.Ltmp1:
0x13: {  	[sflag:s3] =	ssyncset.done $0x0;
	(pc) =	sbr.rel @p0 .LBB2_1-.Ltmp1, $4  }
0x14: {  	[sflag:s3] =	ssyncadd.s32 $0xFFFF4000  }
0x15: {  	[hbm4b:s5+s2] =	stream.linear.scatter [tilespmem:s2], [sflag:$0x1], $0xC000, $0x38;
	[tilespmem:$0xC000] =	vst v63  }
0x16: {  	_ =	swait.ge [sflag:s3], $0xC000  }
0x17: {  	[sflag:s3] =	ssyncset.done $0x0  }
.LBB2_2:
0x18: {  	[sflag:s3] =	ssyncadd.s32 $0xFFFF4000  }
0x19: {  	_ =	sfence.sel $0x180000  }
0x1a: {  	[bflag:$0x0] =	sbarrier.arrive $0xFFFF  }
0x1b: {  	p0 =	sne.s32 s0, $0x0;
	_ =	strace $0x90000047  }
0x1c: {  	s0 =	sadd.s32 @!p0 $0x100000, s1;
	[bflag:$0x2] =	sbarrier.arrive $0xFFFF  }
0x1d: {  	[sflag:s0] =	ssyncadd.tile.s32 @!p0 $0x1;
	_ =	shalt  }
.Lfunc_end2:
_tile_overlayer_lowered:
.L_overlay_start_2:
0x1e: {  	(tag) =	ssettag $0x2  }
0x1f: {  	s0 =	rddreg [dreg:$0x0];
	s2 =	stileid.u32  }
0x20: {  	s1 =	rddreg [dreg:$0x1];
	p0 =	sne.s32 s2, $0x0  }
0x21: {  	s3 =	rddreg [dreg:$0x2];
	[bflag:$0x3] =	sbarrier.arrive $0xFFFF;
	s2 =	simm.s32 @!p0 $0x1C01  }
0x22: {  	[timem:s3], [sflag:s2] =	dma.local @!p0 [hbm:s0], s1  }
0x23: {  	s0 =	simm.s32 @!p0 $0x1  }
0x24: {  	_ =	swait.ge @!p0 [sflag:s0], s1  }
0x25: {  	s1 =	ssub.s32 @!p0 $0x0, s1;
	[sflag:s0] =	ssyncset.done @!p0 $0x0  }
0x26: {  	[sflag:s0] =	ssyncadd.s32 @!p0 s1  }
0x27: {  	[bflag:$0x3] =	sbarrier.arrive $0xFFFF  }
0x28: {  	_ =	shalt  }

</sc_bundles>
